<compile_context>
chip_gen: v7x
topology: tpu7x:2x2x1
jax: 0.10.2.dev20260603
libtpu: 0.0.44.dev20260713+nightly
codegen_flags: <defaults>
</compile_context>

<pallas_src>
import functools

import jax
import jax.numpy as jnp
from jax import lax
from jax.experimental import pallas as pl
from jax.experimental.pallas import tpu as pltpu
from jax.experimental.pallas import tpu_sc as plsc


def _build_sc_kernel(B, L, E, n_workers, num_cores):
    per_w = B // n_workers
    n_pair = per_w // 2

    mesh = plsc.VectorSubcoreMesh(core_axis_name="c", subcore_axis_name="s")

    @functools.partial(
        pl.kernel,
        out_type=jax.ShapeDtypeStruct((L, B, 128), jnp.float32),
        mesh=mesh,
        scratch_types=[
            pltpu.VMEM((per_w, L), jnp.int32),
            pltpu.VMEM((L, E), jnp.float32),
            pltpu.VMEM((L, E), jnp.float32),
            pltpu.SemaphoreType.DMA,
            pltpu.SemaphoreType.DMA,
            pltpu.SemaphoreType.DMA,
            pltpu.SemaphoreType.DMA,
        ],
        compiler_params=pltpu.CompilerParams(use_tc_tiling_on_sc=False),
    )
    def emb(ids_hbm, wt_hbm, out_hbm, ids_v, rows0, rows1, g0, g1, s0, s1):
        cid = lax.axis_index("c")
        sid = lax.axis_index("s")
        wid = sid * num_cores + cid
        base = wid * per_w

        pltpu.sync_copy(ids_hbm.at[pl.ds(base, per_w)], ids_v)

        def gather(i, rows, gsem):
            return pltpu.make_async_copy(wt_hbm.at[ids_v.at[i]], rows, gsem)

        def store(i, rows, ssem):
            return pltpu.make_async_copy(
                rows, out_hbm.at[:, base + i, pl.ds(0, E)], ssem)

        def step(i, rows_a, rows_b, gsem_a, gsem_b, ssem_a, ssem_b):
            gather(i, rows_a, gsem_a).wait()

            @pl.when(i > 0)
            def _():
                store(i - 1, rows_b, ssem_b).wait()

            @pl.when(i + 1 < per_w)
            def _():
                gather(i + 1, rows_b, gsem_b).start()

            store(i, rows_a, ssem_a).start()

        gather(0, rows0, g0).start()

        def pair_body(k, carry):
            step(2 * k, rows0, rows1, g0, g1, s0, s1)
            step(2 * k + 1, rows1, rows0, g1, g0, s1, s0)
            return carry

        lax.fori_loop(0, n_pair, pair_body, 0)
        store(per_w - 1, rows1, s1).wait()

    return emb


def _build_tc_kernel(B, L, E):
    def body(in_ref, pos_ref, eye_ref, out_ref):
        l = pl.program_id(0)
        x = in_ref[0][:, :E]
        xt = lax.dot_general(eye_ref[...], x, (((0,), (1,)), ((), ())),
                             preferred_element_type=jnp.float32)
        p = pos_ref[l, :]
        out_ref[0] = xt + p[:, None]

    return pl.pallas_call(
        body,
        grid=(L,),
        in_specs=[
            pl.BlockSpec((1, B, 128), lambda l: (l, 0, 0)),
            pl.BlockSpec((512, E), lambda l: (0, 0)),
            pl.BlockSpec((E, E), lambda l: (0, 0)),
        ],
        out_specs=pl.BlockSpec((1, E, B), lambda l: (l, 0, 0)),
        out_shape=jax.ShapeDtypeStruct((L, E, B), jnp.float32),
    )


def kernel(input_ids, word_table, pos_table):
    B, L = input_ids.shape
    E = word_table.shape[1]
    info = plsc.get_sparse_core_info()
    n_workers = info.num_cores * info.num_subcores

    emb = _build_sc_kernel(B, L, E, n_workers, info.num_cores)
    inter = emb(input_ids.astype(jnp.int32), word_table)
    eye = jnp.eye(E, dtype=jnp.float32)
    out_leb = _build_tc_kernel(B, L, E)(inter, pos_table, eye)
    return jnp.transpose(out_leb, (2, 0, 1))

# --- scband reference (transcript-rebuilt; emitter-appended) ---
"""Pipeline reference for scband-simple-embeddings-8169027797146 (READ-ONLY COPY).

The authoritative reference and input builder live on the scoring server;
editing this copy changes nothing except your own understanding.
"""

import jax, jax.numpy as jnp
import numpy as np

VOCAB = 100000
EMBED = 64
MAX_POS = 512
B, L = 4096, 200

def setup_inputs(seed: int = 0) -> dict:
    key = jax.random.key(seed)
    k1, k2, k3 = jax.random.split(key, 3)
    input_ids = jax.random.randint(k1, (B, L), 0, VOCAB, dtype=jnp.int64 if jax.config.jax_enable_x64 else jnp.int32)
    word_table = jax.random.normal(k2, (VOCAB, EMBED), dtype=jnp.float32) * 0.02
    pos_table = jax.random.normal(k3, (MAX_POS, EMBED), dtype=jnp.float32) * 0.02
    return {"input_ids": input_ids, "word_table": word_table, "pos_table": pos_table}

def reference(input_ids, word_table, pos_table):
    # word embedding lookup
    words_embeddings = jnp.take(word_table, input_ids, axis=0)  # [B, L, E]
    seq_length = input_ids.shape[1]
    position_ids = jnp.arange(seq_length, dtype=input_ids.dtype)  # [L]
    position_ids = jnp.broadcast_to(position_ids[None, :], input_ids.shape)  # [B, L]
    position_embeddings = jnp.take(pos_table, position_ids, axis=0)  # [B, L, E]
    embeddings = words_embeddings + position_embeddings
    return embeddings

if __name__ == "__main__":
    import jax
    _d = setup_inputs()
    print(jax.jit(kernel)(*tuple(_d.values())))

</pallas_src>

<mosaic_0001>
#map = affine_map<(d0, d1) -> (0, 0)>
#map1 = affine_map<(d0, d1) -> (0, 0, 0)>
module attributes {stable_mosaic.version = 14 : i64} {
  func.func @emb(%arg0: i32, %arg1: i32, %arg2: memref<4096x200xi32, #tpu.memory_space<hbm>>, %arg3: memref<100000x64xf32, #tpu.memory_space<hbm>>, %arg4: memref<200x4096x128xf32, #tpu.memory_space<hbm>>, %arg5: memref<128x200xi32, #tpu.memory_space<vmem>>, %arg6: memref<200x64xf32, #tpu.memory_space<vmem>>, %arg7: memref<200x64xf32, #tpu.memory_space<vmem>>, %arg8: memref<!tpu.dma_semaphore, #tpu.memory_space<semaphore_mem>>, %arg9: memref<!tpu.dma_semaphore, #tpu.memory_space<semaphore_mem>>, %arg10: memref<!tpu.dma_semaphore, #tpu.memory_space<semaphore_mem>>, %arg11: memref<!tpu.dma_semaphore, #tpu.memory_space<semaphore_mem>>) attributes {dimension_semantics = [#tpu.dimension_semantics<core_parallel>, #tpu.dimension_semantics<subcore_parallel>], iteration_bounds = array<i64: 2, 16>, scalar_prefetch = 0 : i64, scratch_operands = 7 : i64, tpu.core_type = #tpu.core_type<sc_vector_subcore>, window_params = [{transform_indices = #map}, {transform_indices = #map}, {transform_indices = #map1}]} {
    %mul3A = arith.constant 2 : i32
    %mul3A_0 = arith.muli %arg1, %mul3A : i32
    %add3A = arith.addi %mul3A_0, %arg0 : i32
    %mul3A_1 = arith.constant 128 : i32
    %mul3A_2 = arith.muli %add3A, %mul3A_1 : i32
    "tpu.region"() ({
      %run_scoped3A = tpu.sem_alloc : memref<!tpu.dma_semaphore, #tpu.memory_space<semaphore_mem>>
      %dma_start3A_23 = arith.constant 0 : i32
      %dma_start3A_24 = tpu.memref_slice %arg2[%mul3A_2, %dma_start3A_23] : memref<4096x200xi32, #tpu.memory_space<hbm>> -> memref<128x200xi32, #tpu.memory_space<hbm>>
      %dma_start3A_25 = arith.constant 0 : i32
      %dma_start3A_26 = tpu.memref_slice %arg2[%mul3A_2, %dma_start3A_25] : memref<4096x200xi32, #tpu.memory_space<hbm>> -> memref<128x200xi32, #tpu.memory_space<hbm>>
      tpu.enqueue_dma source(%dma_start3A_26 : memref<128x200xi32, #tpu.memory_space<hbm>>) target(%arg5 : memref<128x200xi32, #tpu.memory_space<vmem>>) target_semaphore(%run_scoped3A : memref<!tpu.dma_semaphore, #tpu.memory_space<semaphore_mem>>)
      %dma_wait3A_27 = arith.constant 0 : i32
      %dma_wait3A_28 = tpu.memref_slice %arg2[%mul3A_2, %dma_wait3A_27] : memref<4096x200xi32, #tpu.memory_space<hbm>> -> memref<128x200xi32, #tpu.memory_space<hbm>>
      %dma_wait3A_29 = arith.constant 0 : i32
      %dma_wait3A_30 = tpu.memref_slice %arg2[%mul3A_2, %dma_wait3A_29] : memref<4096x200xi32, #tpu.memory_space<hbm>> -> memref<128x200xi32, #tpu.memory_space<hbm>>
      tpu.wait_dma2 semaphore(%run_scoped3A : memref<!tpu.dma_semaphore, #tpu.memory_space<semaphore_mem>>) src(%dma_wait3A_30 : memref<128x200xi32, #tpu.memory_space<hbm>>) dst(%arg5 : memref<128x200xi32, #tpu.memory_space<vmem>>)
      tpu.yield
    }) : () -> ()
    %dma_start3A = arith.constant 0 : i32
    %dma_start3A_3 = arith.constant 0 : i32
    %dma_start3A_4 = tpu.memref_slice %arg5[%dma_start3A, %dma_start3A_3] : memref<128x200xi32, #tpu.memory_space<vmem>> -> memref<1x200xi32, #tpu.memory_space<vmem>>
    %dma_start3A_5 = tpu.memref_squeeze %dma_start3A_4 : memref<1x200xi32, #tpu.memory_space<vmem>> -> memref<200xi32, #tpu.memory_space<vmem>>
    %dma_start3A_6 = arith.constant 0 : i32
    %dma_start3A_7 = arith.constant 0 : i32
    %dma_start3A_8 = tpu.memref_slice %arg3[%dma_start3A_6, %dma_start3A_7] : memref<100000x64xf32, #tpu.memory_space<hbm>> -> memref<100000x64xf32, #tpu.memory_space<hbm>>
    tpu.enqueue_indirect_dma source(%dma_start3A_8 : memref<100000x64xf32, #tpu.memory_space<hbm>>) target(%arg6 : memref<200x64xf32, #tpu.memory_space<vmem>>) offsets(%dma_start3A_5 : memref<200xi32, #tpu.memory_space<vmem>>) semaphore(%arg8 : memref<!tpu.dma_semaphore, #tpu.memory_space<semaphore_mem>>)
    %scan3A = arith.constant 0 : i32
    %scan3A_9 = arith.constant 0 : i32
    %scan3A_10 = arith.constant 64 : i32
    %scan3A_11 = arith.addi %scan3A_9, %scan3A_10 : i32
    %scan3A_12 = arith.constant 1 : i32
    scf.for %scan3A_23 = %scan3A_9 to %scan3A_11 step %scan3A_12  : i32 {
      %mul3A_24 = arith.constant 2 : i32
      %mul3A_25 = arith.muli %mul3A_24, %scan3A_23 : i32
      %dma_wait3A_26 = arith.constant 0 : i32
      %dma_wait3A_27 = tpu.memref_slice %arg5[%mul3A_25, %dma_wait3A_26] : memref<128x200xi32, #tpu.memory_space<vmem>> -> memref<1x200xi32, #tpu.memory_space<vmem>>
      %dma_wait3A_28 = tpu.memref_squeeze %dma_wait3A_27 : memref<1x200xi32, #tpu.memory_space<vmem>> -> memref<200xi32, #tpu.memory_space<vmem>>
      %dma_wait3A_29 = arith.constant 0 : i32
      %dma_wait3A_30 = arith.constant 0 : i32
      %dma_wait3A_31 = tpu.memref_slice %arg3[%dma_wait3A_29, %dma_wait3A_30] : memref<100000x64xf32, #tpu.memory_space<hbm>> -> memref<100000x64xf32, #tpu.memory_space<hbm>>
      tpu.wait_indirect_dma semaphore(%arg8 : memref<!tpu.dma_semaphore, #tpu.memory_space<semaphore_mem>>) src(%dma_wait3A_31 : memref<100000x64xf32, #tpu.memory_space<hbm>>) dst(%arg6 : memref<200x64xf32, #tpu.memory_space<vmem>>)
      %gt3A = arith.constant 0 : i32
      %gt3A_32 = arith.cmpi sgt, %mul3A_25, %gt3A : i32
      %convert_element_type3A = arith.extui %gt3A_32 : i1 to i32
      %cond3A = arith.constant 0 : i32
      %cond3A_33 = arith.cmpi ne, %convert_element_type3A, %cond3A : i32
      scf.if %cond3A_33 {
        %sub3A = arith.constant 1 : i32
        %sub3A_80 = arith.subi %mul3A_25, %sub3A : i32
        %add3A_81 = arith.addi %mul3A_2, %sub3A_80 : i32
        %dma_wait3A_82 = arith.constant 0 : i32
        %dma_wait3A_83 = arith.constant 0 : i32
        %dma_wait3A_84 = tpu.memref_slice %arg4[%dma_wait3A_82, %add3A_81, %dma_wait3A_83] : memref<200x4096x128xf32, #tpu.memory_space<hbm>> -> memref<200x1x64xf32, #tpu.memory_space<hbm>>
        %dma_wait3A_85 = tpu.memref_squeeze %dma_wait3A_84 : memref<200x1x64xf32, #tpu.memory_space<hbm>> -> memref<200x64xf32, #tpu.memory_space<hbm>>
        %dma_wait3A_86 = arith.constant 0 : i32
        %dma_wait3A_87 = arith.constant 0 : i32
        %dma_wait3A_88 = tpu.memref_slice %arg4[%dma_wait3A_86, %add3A_81, %dma_wait3A_87] : memref<200x4096x128xf32, #tpu.memory_space<hbm>> -> memref<200x1x64xf32, #tpu.memory_space<hbm>>
        %dma_wait3A_89 = tpu.memref_squeeze %dma_wait3A_88 : memref<200x1x64xf32, #tpu.memory_space<hbm>> -> memref<200x64xf32, #tpu.memory_space<hbm>>
        tpu.wait_dma2 semaphore(%arg11 : memref<!tpu.dma_semaphore, #tpu.memory_space<semaphore_mem>>) src(%arg7 : memref<200x64xf32, #tpu.memory_space<vmem>>) dst(%dma_wait3A_89 : memref<200x64xf32, #tpu.memory_space<hbm>>)
      } else {
      }
      %add3A_34 = arith.constant 1 : i32
      %add3A_35 = arith.addi %mul3A_25, %add3A_34 : i32
      %lt3A = arith.constant 128 : i32
      %lt3A_36 = arith.cmpi slt, %add3A_35, %lt3A : i32
      %convert_element_type3A_37 = arith.extui %lt3A_36 : i1 to i32
      %cond3A_38 = arith.constant 0 : i32
      %cond3A_39 = arith.cmpi ne, %convert_element_type3A_37, %cond3A_38 : i32
      scf.if %cond3A_39 {
        %add3A_80 = arith.constant 1 : i32
        %add3A_81 = arith.addi %mul3A_25, %add3A_80 : i32
        %dma_start3A_82 = arith.constant 0 : i32
        %dma_start3A_83 = tpu.memref_slice %arg5[%add3A_81, %dma_start3A_82] : memref<128x200xi32, #tpu.memory_space<vmem>> -> memref<1x200xi32, #tpu.memory_space<vmem>>
        %dma_start3A_84 = tpu.memref_squeeze %dma_start3A_83 : memref<1x200xi32, #tpu.memory_space<vmem>> -> memref<200xi32, #tpu.memory_space<vmem>>
        %dma_start3A_85 = arith.constant 0 : i32
        %dma_start3A_86 = arith.constant 0 : i32
        %dma_start3A_87 = tpu.memref_slice %arg3[%dma_start3A_85, %dma_start3A_86] : memref<100000x64xf32, #tpu.memory_space<hbm>> -> memref<100000x64xf32, #tpu.memory_space<hbm>>
        tpu.enqueue_indirect_dma source(%dma_start3A_87 : memref<100000x64xf32, #tpu.memory_space<hbm>>) target(%arg7 : memref<200x64xf32, #tpu.memory_space<vmem>>) offsets(%dma_start3A_84 : memref<200xi32, #tpu.memory_space<vmem>>) semaphore(%arg9 : memref<!tpu.dma_semaphore, #tpu.memory_space<semaphore_mem>>)
      } else {
      }
      %add3A_40 = arith.addi %mul3A_2, %mul3A_25 : i32
      %dma_start3A_41 = arith.constant 0 : i32
      %dma_start3A_42 = arith.constant 0 : i32
      %dma_start3A_43 = tpu.memref_slice %arg4[%dma_start3A_41, %add3A_40, %dma_start3A_42] : memref<200x4096x128xf32, #tpu.memory_space<hbm>> -> memref<200x1x64xf32, #tpu.memory_space<hbm>>
      %dma_start3A_44 = tpu.memref_squeeze %dma_start3A_43 : memref<200x1x64xf32, #tpu.memory_space<hbm>> -> memref<200x64xf32, #tpu.memory_space<hbm>>
      %dma_start3A_45 = arith.constant 0 : i32
      %dma_start3A_46 = arith.constant 0 : i32
      %dma_start3A_47 = tpu.memref_slice %arg4[%dma_start3A_45, %add3A_40, %dma_start3A_46] : memref<200x4096x128xf32, #tpu.memory_space<hbm>> -> memref<200x1x64xf32, #tpu.memory_space<hbm>>
      %dma_start3A_48 = tpu.memref_squeeze %dma_start3A_47 : memref<200x1x64xf32, #tpu.memory_space<hbm>> -> memref<200x64xf32, #tpu.memory_space<hbm>>
      tpu.enqueue_dma source(%arg6 : memref<200x64xf32, #tpu.memory_space<vmem>>) target(%dma_start3A_48 : memref<200x64xf32, #tpu.memory_space<hbm>>) target_semaphore(%arg10 : memref<!tpu.dma_semaphore, #tpu.memory_space<semaphore_mem>>)
      %mul3A_49 = arith.constant 2 : i32
      %mul3A_50 = arith.muli %mul3A_49, %scan3A_23 : i32
      %add3A_51 = arith.constant 1 : i32
      %add3A_52 = arith.addi %mul3A_50, %add3A_51 : i32
      %dma_wait3A_53 = arith.constant 0 : i32
      %dma_wait3A_54 = tpu.memref_slice %arg5[%add3A_52, %dma_wait3A_53] : memref<128x200xi32, #tpu.memory_space<vmem>> -> memref<1x200xi32, #tpu.memory_space<vmem>>
      %dma_wait3A_55 = tpu.memref_squeeze %dma_wait3A_54 : memref<1x200xi32, #tpu.memory_space<vmem>> -> memref<200xi32, #tpu.memory_space<vmem>>
      %dma_wait3A_56 = arith.constant 0 : i32
      %dma_wait3A_57 = arith.constant 0 : i32
      %dma_wait3A_58 = tpu.memref_slice %arg3[%dma_wait3A_56, %dma_wait3A_57] : memref<100000x64xf32, #tpu.memory_space<hbm>> -> memref<100000x64xf32, #tpu.memory_space<hbm>>
      tpu.wait_indirect_dma semaphore(%arg9 : memref<!tpu.dma_semaphore, #tpu.memory_space<semaphore_mem>>) src(%dma_wait3A_58 : memref<100000x64xf32, #tpu.memory_space<hbm>>) dst(%arg7 : memref<200x64xf32, #tpu.memory_space<vmem>>)
      %gt3A_59 = arith.constant 0 : i32
      %gt3A_60 = arith.cmpi sgt, %add3A_52, %gt3A_59 : i32
      %convert_element_type3A_61 = arith.extui %gt3A_60 : i1 to i32
      %cond3A_62 = arith.constant 0 : i32
      %cond3A_63 = arith.cmpi ne, %convert_element_type3A_61, %cond3A_62 : i32
      scf.if %cond3A_63 {
        %sub3A = arith.constant 1 : i32
        %sub3A_80 = arith.subi %add3A_52, %sub3A : i32
        %add3A_81 = arith.addi %mul3A_2, %sub3A_80 : i32
        %dma_wait3A_82 = arith.constant 0 : i32
        %dma_wait3A_83 = arith.constant 0 : i32
        %dma_wait3A_84 = tpu.memref_slice %arg4[%dma_wait3A_82, %add3A_81, %dma_wait3A_83] : memref<200x4096x128xf32, #tpu.memory_space<hbm>> -> memref<200x1x64xf32, #tpu.memory_space<hbm>>
        %dma_wait3A_85 = tpu.memref_squeeze %dma_wait3A_84 : memref<200x1x64xf32, #tpu.memory_space<hbm>> -> memref<200x64xf32, #tpu.memory_space<hbm>>
        %dma_wait3A_86 = arith.constant 0 : i32
        %dma_wait3A_87 = arith.constant 0 : i32
        %dma_wait3A_88 = tpu.memref_slice %arg4[%dma_wait3A_86, %add3A_81, %dma_wait3A_87] : memref<200x4096x128xf32, #tpu.memory_space<hbm>> -> memref<200x1x64xf32, #tpu.memory_space<hbm>>
        %dma_wait3A_89 = tpu.memref_squeeze %dma_wait3A_88 : memref<200x1x64xf32, #tpu.memory_space<hbm>> -> memref<200x64xf32, #tpu.memory_space<hbm>>
        tpu.wait_dma2 semaphore(%arg10 : memref<!tpu.dma_semaphore, #tpu.memory_space<semaphore_mem>>) src(%arg6 : memref<200x64xf32, #tpu.memory_space<vmem>>) dst(%dma_wait3A_89 : memref<200x64xf32, #tpu.memory_space<hbm>>)
      } else {
      }
      %add3A_64 = arith.constant 1 : i32
      %add3A_65 = arith.addi %add3A_52, %add3A_64 : i32
      %lt3A_66 = arith.constant 128 : i32
      %lt3A_67 = arith.cmpi slt, %add3A_65, %lt3A_66 : i32
      %convert_element_type3A_68 = arith.extui %lt3A_67 : i1 to i32
      %cond3A_69 = arith.constant 0 : i32
      %cond3A_70 = arith.cmpi ne, %convert_element_type3A_68, %cond3A_69 : i32
      scf.if %cond3A_70 {
        %add3A_80 = arith.constant 1 : i32
        %add3A_81 = arith.addi %add3A_52, %add3A_80 : i32
        %dma_start3A_82 = arith.constant 0 : i32
        %dma_start3A_83 = tpu.memref_slice %arg5[%add3A_81, %dma_start3A_82] : memref<128x200xi32, #tpu.memory_space<vmem>> -> memref<1x200xi32, #tpu.memory_space<vmem>>
        %dma_start3A_84 = tpu.memref_squeeze %dma_start3A_83 : memref<1x200xi32, #tpu.memory_space<vmem>> -> memref<200xi32, #tpu.memory_space<vmem>>
        %dma_start3A_85 = arith.constant 0 : i32
        %dma_start3A_86 = arith.constant 0 : i32
        %dma_start3A_87 = tpu.memref_slice %arg3[%dma_start3A_85, %dma_start3A_86] : memref<100000x64xf32, #tpu.memory_space<hbm>> -> memref<100000x64xf32, #tpu.memory_space<hbm>>
        tpu.enqueue_indirect_dma source(%dma_start3A_87 : memref<100000x64xf32, #tpu.memory_space<hbm>>) target(%arg6 : memref<200x64xf32, #tpu.memory_space<vmem>>) offsets(%dma_start3A_84 : memref<200xi32, #tpu.memory_space<vmem>>) semaphore(%arg8 : memref<!tpu.dma_semaphore, #tpu.memory_space<semaphore_mem>>)
      } else {
      }
      %add3A_71 = arith.addi %mul3A_2, %add3A_52 : i32
      %dma_start3A_72 = arith.constant 0 : i32
      %dma_start3A_73 = arith.constant 0 : i32
      %dma_start3A_74 = tpu.memref_slice %arg4[%dma_start3A_72, %add3A_71, %dma_start3A_73] : memref<200x4096x128xf32, #tpu.memory_space<hbm>> -> memref<200x1x64xf32, #tpu.memory_space<hbm>>
      %dma_start3A_75 = tpu.memref_squeeze %dma_start3A_74 : memref<200x1x64xf32, #tpu.memory_space<hbm>> -> memref<200x64xf32, #tpu.memory_space<hbm>>
      %dma_start3A_76 = arith.constant 0 : i32
      %dma_start3A_77 = arith.constant 0 : i32
      %dma_start3A_78 = tpu.memref_slice %arg4[%dma_start3A_76, %add3A_71, %dma_start3A_77] : memref<200x4096x128xf32, #tpu.memory_space<hbm>> -> memref<200x1x64xf32, #tpu.memory_space<hbm>>
      %dma_start3A_79 = tpu.memref_squeeze %dma_start3A_78 : memref<200x1x64xf32, #tpu.memory_space<hbm>> -> memref<200x64xf32, #tpu.memory_space<hbm>>
      tpu.enqueue_dma source(%arg7 : memref<200x64xf32, #tpu.memory_space<vmem>>) target(%dma_start3A_79 : memref<200x64xf32, #tpu.memory_space<hbm>>) target_semaphore(%arg11 : memref<!tpu.dma_semaphore, #tpu.memory_space<semaphore_mem>>)
    }
    %scan3A_13 = arith.constant 64 : i32
    %add3A_14 = arith.constant 127 : i32
    %add3A_15 = arith.addi %mul3A_2, %add3A_14 : i32
    %dma_wait3A = arith.constant 0 : i32
    %dma_wait3A_16 = arith.constant 0 : i32
    %dma_wait3A_17 = tpu.memref_slice %arg4[%dma_wait3A, %add3A_15, %dma_wait3A_16] : memref<200x4096x128xf32, #tpu.memory_space<hbm>> -> memref<200x1x64xf32, #tpu.memory_space<hbm>>
    %dma_wait3A_18 = tpu.memref_squeeze %dma_wait3A_17 : memref<200x1x64xf32, #tpu.memory_space<hbm>> -> memref<200x64xf32, #tpu.memory_space<hbm>>
    %dma_wait3A_19 = arith.constant 0 : i32
    %dma_wait3A_20 = arith.constant 0 : i32
    %dma_wait3A_21 = tpu.memref_slice %arg4[%dma_wait3A_19, %add3A_15, %dma_wait3A_20] : memref<200x4096x128xf32, #tpu.memory_space<hbm>> -> memref<200x1x64xf32, #tpu.memory_space<hbm>>
    %dma_wait3A_22 = tpu.memref_squeeze %dma_wait3A_21 : memref<200x1x64xf32, #tpu.memory_space<hbm>> -> memref<200x64xf32, #tpu.memory_space<hbm>>
    tpu.wait_dma2 semaphore(%arg11 : memref<!tpu.dma_semaphore, #tpu.memory_space<semaphore_mem>>) src(%arg7 : memref<200x64xf32, #tpu.memory_space<vmem>>) dst(%dma_wait3A_22 : memref<200x64xf32, #tpu.memory_space<hbm>>)
    return
  }
}

module attributes {stable_mosaic.version = 14 : i64} {
  func.func @body(%arg0: i32, %arg1: memref<1x4096x128xf32, #tpu.memory_space<vmem>>, %arg2: memref<512x64xf32, #tpu.memory_space<vmem>>, %arg3: memref<64x64xf32, #tpu.memory_space<vmem>>, %arg4: memref<1x64x4096xf32, #tpu.memory_space<vmem>>) attributes {dimension_semantics = [#tpu.dimension_semantics<arbitrary>], iteration_bounds = array<i64: 200>, scalar_prefetch = 0 : i64, scratch_operands = 0 : i64, tpu.core_type = #tpu.core_type<tc>, window_params = [{transform_indices = @transform_0, window_bounds = array<i64: 1, 4096, 128>}, {pipeline_mode = #tpu.pipeline_mode<synchronous>, transform_indices = @transform_1, window_bounds = array<i64: 512, 64>}, {pipeline_mode = #tpu.pipeline_mode<synchronous>, transform_indices = @transform_2, window_bounds = array<i64: 64, 64>}, {transform_indices = @transform_3, window_bounds = array<i64: 1, 64, 4096>}]} {
    %get3A = arith.constant 0 : index
    %get3A_0 = arith.constant 0 : index
    %get3A_1 = arith.constant 0 : index
    %get3A_2 = vector.load %arg1[%get3A, %get3A_0, %get3A_1] : memref<1x4096x128xf32, #tpu.memory_space<vmem>>, vector<1x4096x128xf32>
    %get3A_3 = vector.shape_cast %get3A_2 : vector<1x4096x128xf32> to vector<4096x128xf32>
    %slice3A = vector.extract_strided_slice %get3A_3 {offsets = [0, 0], sizes = [4096, 64], strides = [1, 1]} : vector<4096x128xf32> to vector<4096x64xf32>
    %get3A_4 = arith.constant 0 : index
    %get3A_5 = arith.constant 0 : index
    %get3A_6 = vector.load %arg3[%get3A_4, %get3A_5] : memref<64x64xf32, #tpu.memory_space<vmem>>, vector<64x64xf32>
    %dot_general3A = arith.constant dense<0.000000e+00> : vector<64x4096xf32>
    %dot_general3A_7 = tpu.matmul %get3A_6, %slice3A, %dot_general3A {dimension_numbers = #tpu.dot_dimension_numbers<[0], [1], [1], [0], [0, 1, 1, 0], [], []>, transpose_lhs_hint = false} : vector<64x64xf32>, vector<4096x64xf32>, vector<64x4096xf32> -> vector<64x4096xf32>
    %get3A_8 = arith.index_cast %arg0 : i32 to index
    %get3A_9 = arith.constant 0 : index
    %get3A_10 = vector.load %arg2[%get3A_8, %get3A_9] : memref<512x64xf32, #tpu.memory_space<vmem>>, vector<1x64xf32>
    %get3A_11 = vector.shape_cast %get3A_10 : vector<1x64xf32> to vector<64xf32>
    %broadcast_in_dim3A = vector.shape_cast %get3A_11 : vector<64xf32> to vector<64x1xf32>
    %add3A = vector.broadcast %broadcast_in_dim3A : vector<64x1xf32> to vector<64x4096xf32>
    %add3A_12 = arith.addf %dot_general3A_7, %add3A : vector<64x4096xf32>
    %swap3A = arith.constant 0 : index
    %swap3A_13 = arith.constant 0 : index
    %swap3A_14 = arith.constant 0 : index
    %swap3A_15 = vector.load %arg4[%swap3A, %swap3A_13, %swap3A_14] : memref<1x64x4096xf32, #tpu.memory_space<vmem>>, vector<1x64x4096xf32>
    %swap3A_16 = vector.shape_cast %swap3A_15 : vector<1x64x4096xf32> to vector<64x4096xf32>
    %swap3A_17 = vector.shape_cast %add3A_12 : vector<64x4096xf32> to vector<1x64x4096xf32>
    tpu.vector_store %arg4[%swap3A, %swap3A_13, %swap3A_14], %swap3A_17 {strides = array<i32>} : memref<1x64x4096xf32, #tpu.memory_space<vmem>>, vector<1x64x4096xf32>,
    return
  }
  func.func @transform_0(%arg0: i32) -> (i32, i32, i32) {
    %c0_i32 = arith.constant 0 : i32
    %c0_i32_0 = arith.constant 0 : i32
    %c0_i32_1 = arith.constant 0 : i32
    return %arg0, %c0_i32, %c0_i32_0 : i32, i32, i32
  }
  func.func @transform_1(%arg0: i32) -> (i32, i32) {
    %c0_i32 = arith.constant 0 : i32
    %c0_i32_0 = arith.constant 0 : i32
    %c0_i32_1 = arith.constant 0 : i32
    return %c0_i32, %c0_i32_0 : i32, i32
  }
  func.func @transform_2(%arg0: i32) -> (i32, i32) {
    %c0_i32 = arith.constant 0 : i32
    %c0_i32_0 = arith.constant 0 : i32
    %c0_i32_1 = arith.constant 0 : i32
    return %c0_i32, %c0_i32_0 : i32, i32
  }
  func.func @transform_3(%arg0: i32) -> (i32, i32, i32) {
    %c0_i32 = arith.constant 0 : i32
    %c0_i32_0 = arith.constant 0 : i32
    %c0_i32_1 = arith.constant 0 : i32
    return %arg0, %c0_i32, %c0_i32_0 : i32, i32, i32
  }
}

</mosaic_0001>

<sc_bundles>
// kernel: kernel.4.cloned.1.call-start
scs
__scs_entry_jumppad:
0x0: {  	(pc) =	sbr.rel $0x88, $3  }
0x1: {  	(tag) =	ssettag $0x0;
	lr =	simm.s32 $0x1  }
0x2: {  	[smem:$0x3F9E] =	sst lr;
	_ =	strace $0xD0000000  }
0x3: {  	_ = 	snop  }
0x4: {  	_ = 	snop  }
0x5: {  	_ = 	snop  }
0x6: {  	_ = 	snop  }
0x7: {  	_ = 	snop  }
__scs_overlays_trampoline_lowered:
0x8: {  	[smem:$0x3FAD] =	sst s0  }
0x9: {  	[smem:$0x3FAE] =	sst s1  }
0xa: {  	[smem:$0x3FAF] =	sst s2  }
0xb: {  	[smem:$0x3FB0] =	sst s3  }
0xc: {  	[smem:$0x3FB1] =	sst s4  }
0xd: {  	[smem:$0x3FB2] =	sst s5  }
0xe: {  	[smem:$0x3FB3] =	sst s6  }
0xf: {  	[smem:$0x3FB4] =	sst s7  }
0x10: {  	[smem:$0x3FB5] =	sst s8  }
0x11: {  	[smem:$0x3FB6] =	sst s9;
	s0 =	simm.s32 @!p0 $0x0  }
0x12: {  	s1 =	sld [smem:$0x3F9C];
	s0 =	simm.s32 @p0 $0x1  }
0x13: {  	[smem:$0x3FB7] =	sst s0;
	s0 =	simm.s32 @!p1 $0x0  }
0x14: {  	s2 =	sld [smem:$0x3F9B];
	s0 =	simm.s32 @p1 $0x1  }
0x15: {  	[smem:$0x3FB8] =	sst s0;
	s0 =	simm.s32 @!p2 $0x0  }
0x16: {  	s3 =	sld [smem:$0x3FDB];
	s0 =	simm.s32 @p2 $0x1  }
0x17: {  	s4 =	simm.s32 $0x1BF5;
	[smem:$0x3FBA] =	sst s0  }
0x18: {  	s0 =	sld [smem:$0x3F9D];
	_ =	swait.ge [sflag:s4], $0x0  }
0x19: {  	s7 =	sld [smem:$0x3F9E]  }
0x1a: {  	s8 =	sadd.s32 $0xFFFFE003, lr  }
0x1b: {  	s9 =	sadd.s32 $0xFFFFFEF7, lr;
	s5 =	simm.s32 $0xFFFFFFFF;
	p2 =	slt.u32 s8, $0xFFFFF086  }
0x1c: {  	p1 =	slt.u32 s9, $0xF7A;
	s5 =	simm.s32 @!p2 $0x0  }
0x1d: {  	s5 =	simm.s32 @p1 $0x1;
	p0 =	seq.s32 s7, s2  }
0x1e: {  	s7 =	smul.u32 @!p0 $0xF7A, s2;
	p2 =	seq.s32 @!p0 s5, $0x0  }
0x1f: {  	s9 =	smul.u32 $0xF7A, s1;
	s8 =	simm.s32 @!p0 $0x1BF5;
	p2 =	por !p2, p0  }
0x20: {  	[sflag:s8] =	ssyncset.s32 @!p0 $0xFFFFF086;
	s6 =	sadd.s32 @!p0 s3, s7;
	s7 =	simm.s32 @!p0 $0x108  }
0x21: {  	s3 =	sadd.s32 s3, s9;
	s6 =	sadd.s32 @!p0 $0x88, s6;
	s7 =	simm.s32 @p2 $0x1082  }
0x22: {  	[simem:s7], [sflag:s8] =	dma.local @!p0 [hbm:s6], $0xF7A  }
0x23: {  	s9 =	sor.u32 $0xD0000000, s2;
	s6 =	simm.s32 $0x108;
	_ =	swait.ge @!p0 [sflag:s8], $0x0  }
0x24: {  	s3 =	sadd.s32 $0x88, s3;
	s6 =	simm.s32 @!p1 $0x1082;
	[sflag:s4] =	ssyncset.s32 $0xFFFFF086  }
0x25: {  	[simem:s6], [sflag:s4] =	dma.local [hbm:s3], $0xF7A  }
0x26: {  	[smem:$0x3F9E] =	sst s1;
	(tag) =	ssettag s2;
	_ =	strace s9  }
0x27: {  	s1 =	sld [smem:$0x3FAE]  }
0x28: {  	s2 =	sld [smem:$0x3FAF]  }
0x29: {  	s4 =	sld [smem:$0x3FB1]  }
0x2a: {  	p0 =	seq.s32 s5, $0x0;
	s5 =	sld [smem:$0x3FB2]  }
0x2b: {  	s6 =	sld [smem:$0x3FB3]  }
0x2c: {  	s7 =	sld [smem:$0x3FB4]  }
0x2d: {  	s3 =	simm.s32 $0x108;
	s8 =	sld [smem:$0x3FB5]  }
0x2e: {  	s3 =	simm.s32 @!p0 $0x1082;
	s9 =	sld [smem:$0x3FB6]  }
0x2f: {  	lr =	sadd.s32 s0, s3;
	s0 =	sld [smem:$0x3FAD]  }
0x30: {  	s3 =	sld [smem:$0x3FB0]  }
0x31: {  	[smem:$0x3FB9] =	sst s10  }
0x32: {  	s10 =	sld [smem:$0x3FB7];
	_ =	sdelay $0x3  }
0x33: {  	p0 =	seq.s32 s10, $0x1;
	s10 =	sld [smem:$0x3FB9];
	_ =	sdelay $0x3  }
0x34: {  	[smem:$0x3FB9] =	sst s10  }
0x35: {  	s10 =	sld [smem:$0x3FB8];
	_ =	sdelay $0x3  }
0x36: {  	p1 =	seq.s32 s10, $0x1;
	s10 =	sld [smem:$0x3FB9];
	_ =	sdelay $0x3  }
0x37: {  	[smem:$0x3FB9] =	sst s10  }
0x38: {  	s10 =	sld [smem:$0x3FBA]  }
0x39: {  	_ = 	snop;
	(pc) =	sbr.ind lr, $3  }
0x3a: {  	_ = 	snop  }
0x3b: {  	_ = 	snop  }
0x3c: {  	p2 =	seq.s32 s10, $0x1;
	s10 =	sld [smem:$0x3FB9]  }
0x3d: {  	_ =	shalt  }
0x3e: {  	_ =	shalt  }
0x3f: {  	_ =	shalt  }
0x40: {  	_ =	shalt  }
0x41: {  	_ =	shalt  }
0x42: {  	_ =	shalt  }
0x43: {  	_ =	shalt  }
0x44: {  	_ =	shalt  }
0x45: {  	_ =	shalt  }
0x46: {  	_ =	shalt  }
0x47: {  	_ =	shalt  }
0x48: {  	_ =	shalt  }
0x49: {  	_ =	shalt  }
0x4a: {  	_ =	shalt  }
0x4b: {  	_ =	shalt  }
0x4c: {  	_ =	shalt  }
0x4d: {  	_ =	shalt  }
0x4e: {  	_ =	shalt  }
0x4f: {  	_ =	shalt  }
0x50: {  	_ =	shalt  }
0x51: {  	_ =	shalt  }
0x52: {  	_ =	shalt  }
0x53: {  	_ =	shalt  }
0x54: {  	_ =	shalt  }
0x55: {  	_ =	shalt  }
0x56: {  	_ =	shalt  }
0x57: {  	_ =	shalt  }
0x58: {  	_ =	shalt  }
0x59: {  	_ =	shalt  }
0x5a: {  	_ =	shalt  }
0x5b: {  	_ =	shalt  }
0x5c: {  	_ =	shalt  }
0x5d: {  	_ =	shalt  }
0x5e: {  	_ =	shalt  }
0x5f: {  	_ =	shalt  }
0x60: {  	_ =	shalt  }
0x61: {  	_ =	shalt  }
0x62: {  	_ =	shalt  }
0x63: {  	_ =	shalt  }
0x64: {  	_ =	shalt  }
0x65: {  	_ =	shalt  }
0x66: {  	_ =	shalt  }
0x67: {  	_ =	shalt  }
0x68: {  	_ =	shalt  }
0x69: {  	_ =	shalt  }
0x6a: {  	_ =	shalt  }
0x6b: {  	_ =	shalt  }
0x6c: {  	_ =	shalt  }
0x6d: {  	_ =	shalt  }
0x6e: {  	_ =	shalt  }
0x6f: {  	_ =	shalt  }
0x70: {  	_ =	shalt  }
0x71: {  	_ =	shalt  }
0x72: {  	_ =	shalt  }
0x73: {  	_ =	shalt  }
0x74: {  	_ =	shalt  }
0x75: {  	_ =	shalt  }
0x76: {  	_ =	shalt  }
0x77: {  	_ =	shalt  }
0x78: {  	_ =	shalt  }
0x79: {  	_ =	shalt  }
0x7a: {  	_ =	shalt  }
0x7b: {  	_ =	shalt  }
0x7c: {  	_ =	shalt  }
0x7d: {  	_ =	shalt  }
0x7e: {  	_ =	shalt  }
0x7f: {  	_ =	shalt  }
0x80: {  	_ =	shalt  }
0x81: {  	_ =	shalt  }
0x82: {  	_ =	shalt  }
0x83: {  	_ =	shalt  }
0x84: {  	_ =	shalt  }
0x85: {  	_ =	shalt  }
0x86: {  	_ =	shalt  }
0x87: {  	_ =	shalt  }
.Lfunc_end0:
.L_simem_size_0:
called_computation_lowered:
.L_overlay_start_0:
0x88: {  	s2 =	sld [smem:$0x3FD9]  }
0x89: {  	s3 =	sld [smem:$0x3FFE];
	_ =	sdelay $0x1  }
0x8a: {  	s1 =	srdreg.scid  }
0x8b: {  	s0 =	sand.u32 $0x1, s1  }
0x8c: {  	s16 =	sshll.u32 s0, $0xA;
	s2 =	sadd.s32 s3, s2  }
0x8d: {  	s2 =	sadd.s32 s2, s16  }
0x8e: {  	[smem:$0x3FC5] =	sst s2  }
0x8f: {  	_ = 	snop  }
0x90: {  	(tm) =	ssettm $0x1  }
0x91: {  	s17 =	sld [smem:$0x3FFB];
	_ =	sdelay $0x3  }
0x92: {  	_ =	strace s17  }
0x93: {  	s2 =	sld [smem:$0x3FFC];
	_ =	sdelay $0x3  }
0x94: {  	_ =	strace s2  }
0x95: {  	s2 =	sld [smem:$0x3FFD];
	_ =	sdelay $0x3  }
0x96: {  	_ =	strace s2  }
0x97: {  	_ =	strace $0x8FFFFFFF  }
0x98: {  	s18 =	sld [smem:$0x3FDB];
	_ =	sdelay $0x1  }
0x99: {  	s19 =	simm.s32 $_scs_section_size  }
0x9a: {  	s4 =	simm.s32 $_size__tile_overlayer_lowered;
	s5 =	simm.s32 $_tile_overlayer_lowered  }
0x9b: {  	s22 =	simm.s32 $0x1BFF;
	s21 =	sshll.u32 s5, $0x1;
	s2 =	sadd.s32 s19, s18  }
0x9c: {  	s6 =	simm.s32 $0x0;
	s20 =	sshll.u32 s4, $0x1;
	s4 =	sadd.s32 s21, s2  }
0x9d: {  	[timem:s6], [sflag:s22] =	dma.local [hbm:s4], s20  }
0x9e: {  	_ =	swait.ge [sflag:s22], s20  }
0x9f: {  	s3 =	ssub.s32 $0x0, s20;
	[sflag:s22] =	ssyncset.done $0x0  }
0xa0: {  	[sflag:s22] =	ssyncadd.s32 s3;
	_ =	sdelay $0x1  }
0xa1: {  	s23 =	simm.s32 $0x1B8B  }
0xa2: {  	_ =	swait.ge [sflag:s23], $0x1  }
0xa3: {  	[sflag:s23] =	ssyncset.done $0x0  }
0xa4: {  	s25 =	simm.s32 $0x1B8E;
	s24 =	sld [smem:$0x3FFE];
	[sflag:s23] =	ssyncadd.s32 $0xFFFFFFFF  }
0xa5: {  	s26 =	simm.s32 $execute0_lowered;
	[smem:$0x3FD2] =	sst s25  }
0xa6: {  	s4 =	sshll.u32 s26, $0x1;
	_ =	strace $0x80000046;
	[dreg:$0x1] =	wrdreg $0xFFFFFFFF  }
0xa7: {  	s28 =	simm.s32 $_size_execute0_lowered;
	s2 =	sadd.s32 s2, s4;
	[dreg:$0x0] =	wrdreg $0x0  }
0xa8: {  	s4 =	sshll.u32 s28, $0x1;
	[dreg:$0x2] =	wrdreg s2  }
0xa9: {  	[dreg:$0x3] =	wrdreg s4  }
0xaa: {  	[dreg:$0x4] =	wrdreg $0xC0  }
0xab: {  	_ =	task [dreg:s6], $0x5FFFF  }
0xac: {  	[dreg:$0x1] =	wrdreg $0xFFFFFFFF  }
0xad: {  	[dreg:$0x0] =	wrdreg $0x60  }
0xae: {  	[dreg:$0x2] =	wrdreg s24  }
0xaf: {  	[dreg:$0x3] =	wrdreg $0x9  }
0xb0: {  	_ =	task.clear_ibuf [dreg:s6], $0x4FFFF;
	_ =	strace $0x90000046  }
0xb1: {  	s29 =	simm.s32 $0x9;
	_ =	strace $0x80000048  }
0xb2: {  	_ =	swait.ge [sflag:s29], $0x1  }
0xb3: {  	[sflag:s29] =	ssyncadd.s32 $0xFFFFFFFF  }
0xb4: {  	_ =	strace $0x90000048  }
0xb5: {  	_ =	sfence  }
0xb6: {  	s30 =	sld [smem:$0x0];
	_ =	sdelay $0x2  }
0xb7: {  	s31 =	sshll.u32 s1, $0xD;
	s1 =	sshrl.u32 s1, $0x2  }
0xb8: {  	s3 =	sand.u32 $0x4000, s31;
	s1 =	sadd.s32 s1, s30  }
0xb9: {  	s0 =	sor.u32 s3, s0;
	s1 =	sshll.u32 s1, $0x11  }
0xba: {  	s0 =	sor.u32 s1, s0  }
0xbb: {  	s0 =	sadd.s32 $0x8F2B, s0  }
0xbc: {  	[sflag:s0] =	ssyncadd.remote.s32 $0x1  }
0xbd: {  	_ =	sfence.sel $0xFFFF  }
0xbe: {  	[dreg:$0x0] =	wrdreg $0xFFFFFFFF;
	(pc) =	sbr.abs _section_cstart, $3  }
0xbf: {  	[dreg:$0x1] =	wrdreg $0xFFFFFFFF  }
0xc0: {  	_ =	task.clear_ibuf [dreg:s6], $0x2FFFF;
	_ =	strace $0x9FFFFFFF  }
0xc1: {  	(tm) =	ssettm $0x7FFFFFFF  }
tec
execute0_lowered:
.L_overlay_start_1:
0x0: {  	(tag) =	ssettag $0x1  }
0x1: {  	s1 =	srdreg.scid  }
0x2: {  	s0 =	stileid.u32;
	s4 =	rddreg [dreg:$0x0];
	s2 =	simm.s32 $0x0  }
0x3: {  	s11 =	simm.s32 $0x5;
	s12 =	simm.s32 $0xC8;
	s13 =	simm.s32 $0x6400  }
0x4: {  	s14 =	simm.s32 $0x1;
	s15 =	simm.s32 $0x9600;
	s16 =	simm.s32 $0x40  }
0x5: {  	s17 =	simm.s32 $0x80000;
	s18 =	simm.s32 $0x2;
	s19 =	simm.s32 $0x3  }
0x6: {  	s20 =	simm.s32 $0x190;
	s21 =	simm.s32 $0x4;
	s22 =	simm.s32 $0x6338  }
0x7: {  	s23 =	simm.s32 $0x0;
	s7 =	sand.u32 $0x1, s1;
	s1 =	rddreg [dreg:$0x1]  }
0x8: {  	s3 =	sshll.u32 s0, $0x8;
	[smem:$0x7FF] =	sst s2;
	s10 =	sadd.s32 $0xDCC00, s4  }
0x9: {  	s29 =	sshll.u32 s0, $0xC;
	s5 =	sshll.u32 s7, $0x7;
	s28 =	ssub.s32 $0x2, s7  }
0xa: {  	_ =	strace $0x80000047;
	s6 =	sor.u32 s5, s3;
	s9 =	sshrl.u32 s28, $0x1  }
0xb: {  	s30 =	sadd.s32 s29, s10;
	s3 =	smul.u32 $0x19, s6;
	s5 =	ssub.s32 s28, s9  }
0xc: {  	s31 =	sshll.u32 s7, $0xB;
	s6 =	sshll.u32 s6, $0x4;
	s5 =	smax.u32 s5, $0x1  }
0xd: {  	s6 =	sadd.s32 s10, s6;
	s10 =	sadd.s32 s31, s30;
	s8 =	sadd.s32 s3, s4  }
0xe: {  	s3 =	sadd.s32 $0x19600, s4;
	s7 =	sadd.s32 $0x10, s6;
	s9 =	sadd.s32 $0x7F0, s6  }
0xf: {  	s10 =	sadd.s32 $0x20, s10;
	s4 =	sadd.s32 $0x600, s8;
	s8 =	sadd.s32 $0x7E0, s6  }
.LBB2_1:
0x10: {  	[tilespmem:s2], [sflag:$0x5] =	stream.linear.gather [hbm4b:s4+s2], $0x6400, $0x38;
	[tilespmem:$0xC800] =	vst v63  }
0x11: {  	_ =	swait.ge [sflag:s11], $0x6400  }
0x12: {  	[sflag:s11] =	ssyncset.done $0x0  }
0x13: {  	[sflag:s11] =	ssyncadd.s32 $0xFFFF9C00  }
0x14: {  	[tilespmem:s13], [sflag:$0x1] =	stream.indirect.gather [hbm4b:s3+s12], $0x40, s2, s12, $0xb8;
	[tilespmem:$0xC800] =	vst v63  }
0x15: {  	_ =	swait.ge [sflag:s14], $0x3200  }
0x16: {  	[sflag:s14] =	ssyncset.done $0x0  }
0x17: {  	[sflag:s14] =	ssyncadd.s32 $0xFFFFCE00  }
0x18: {  	[tilespmem:s15], [sflag:$0x2] =	stream.indirect.gather [hbm4b:s3+s12], $0x40, s12, s12, $0xb8;
	[tilespmem:$0xC800] =	vst v63  }
0x19: {  	_ = 	snop  }
0x1a: {  	[hbm4b:s6+s16] =	stream.strided.scatter [tilespmem:s13], [sflag:$0x3], $0x3200, s17, s16, $0x38;
	[tilespmem:$0xC800] =	vst v63  }
0x1b: {  	_ =	swait.ge [sflag:s18], $0x3200  }
0x1c: {  	[sflag:s18] =	ssyncset.done $0x0  }
0x1d: {  	[sflag:s18] =	ssyncadd.s32 $0xFFFFCE00  }
0x1e: {  	_ =	swait.ge [sflag:s19], $0x3200  }
0x1f: {  	[sflag:s19] =	ssyncset.done $0x0  }
0x20: {  	[sflag:s19] =	ssyncadd.s32 $0xFFFFCE00  }
0x21: {  	[tilespmem:s13], [sflag:$0x1] =	stream.indirect.gather [hbm4b:s3+s12], $0x40, s20, s12, $0xb8;
	[tilespmem:$0xC800] =	vst v63  }
0x22: {  	_ = 	snop  }
0x23: {  	[hbm4b:s7+s16] =	stream.strided.scatter [tilespmem:s15], [sflag:$0x4], $0x3200, s17, s16, $0x38;
	[tilespmem:$0xC800] =	vst v63  }
0x24: {  	_ =	swait.ge [sflag:s14], $0x3200  }
0x25: {  	[sflag:s14] =	ssyncset.done $0x0  }
0x26: {  	[sflag:s14] =	ssyncadd.s32 $0xFFFFCE00  }
0x27: {  	_ =	swait.ge [sflag:s21], $0x3200  }
0x28: {  	[sflag:s21] =	ssyncset.done $0x0  }
0x29: {  	s24 =	simm.s32 $0x258;
	[sflag:s21] =	ssyncadd.s32 $0xFFFFCE00  }
0x2a: {  	[tilespmem:s15], [sflag:$0x2] =	stream.indirect.gather [hbm4b:s3+s12], $0x40, s24, s12, $0xb8;
	[tilespmem:$0xC800] =	vst v63  }
0x2b: {  	_ = 	snop  }
0x2c: {  	[hbm4b:s10+s16] =	stream.strided.scatter [tilespmem:s13], [sflag:$0x3], $0x3200, s17, s16, $0x38;
	[tilespmem:$0xC800] =	vst v63  }
0x2d: {  	_ =	swait.ge [sflag:s18], $0x3200  }
0x2e: {  	[sflag:s18] =	ssyncset.done $0x0  }
0x2f: {  	[sflag:s18] =	ssyncadd.s32 $0xFFFFCE00  }
0x30: {  	_ =	swait.ge [sflag:s19], $0x3200  }
0x31: {  	s31 =	simm.s32 $0x320;
	s26 =	sadd.s32 $0x10, s10;
	[sflag:s19] =	ssyncset.done $0x0  }
0x32: {  	s25 =	sadd.s32 $0x20, s10;
	s24 =	simm.s32 $0x640;
	[sflag:s19] =	ssyncadd.s32 $0xFFFFCE00  }
0x33: {  	[tilespmem:s13], [sflag:$0x1] =	stream.indirect.gather [hbm4b:s3+s12], $0x40, s31, s12, $0xb8;
	[tilespmem:$0xC800] =	vst v63  }
.LBB2_2:
0x34: {  	[hbm4b:s26+s16] =	stream.strided.scatter [tilespmem:s15], [sflag:$0x4], $0x3200, s17, s16, $0x38;
	[tilespmem:$0xC800] =	vst v63  }
0x35: {  	s26 =	smov.u32 s24  }
0x36: {  	p0 =	sne.s32 s24, $0x17D40;
	s24 =	sadd.s32 $0x640, s24;
	_ =	swait.ge [sflag:s14], $0x3200  }
0x37: {  	[sflag:s14] =	ssyncset.done $0x0  }
0x38: {  	[sflag:s14] =	ssyncadd.s32 $0xFFFFCE00  }
0x39: {  	_ =	swait.ge [sflag:s21], $0x3200  }
0x3a: {  	s26 =	sshra.s32 s26, $0x2;
	[sflag:s21] =	ssyncset.done $0x0  }
0x3b: {  	s28 =	sadd.s32 $0x258, s26;
	[sflag:s21] =	ssyncadd.s32 $0xFFFFCE00  }
0x3c: {  	[tilespmem:s15], [sflag:$0x2] =	stream.indirect.gather [hbm4b:s3+s12], $0x40, s28, s12, $0xb8;
	[tilespmem:$0xC800] =	vst v63  }
0x3d: {  	_ = 	snop  }
0x3e: {  	[hbm4b:s25+s16] =	stream.strided.scatter [tilespmem:s13], [sflag:$0x3], $0x3200, s17, s16, $0x38;
	[tilespmem:$0xC800] =	vst v63  }
0x3f: {  	_ =	swait.ge [sflag:s18], $0x3200  }
0x40: {  	[sflag:s18] =	ssyncset.done $0x0  }
0x41: {  	[sflag:s18] =	ssyncadd.s32 $0xFFFFCE00  }
.Ltmp0:
0x42: {  	_ =	swait.ge [sflag:s19], $0x3200;
	(pc) =	sbr.rel @p0 .LBB2_2-.Ltmp0, $4  }
0x43: {  	[sflag:s19] =	ssyncset.done $0x0  }
0x44: {  	s26 =	sadd.s32 $0x320, s26;
	[sflag:s19] =	ssyncadd.s32 $0xFFFFCE00  }
0x45: {  	[tilespmem:s13], [sflag:$0x1] =	stream.indirect.gather [hbm4b:s3+s12], $0x40, s26, s12, $0xb8;
	[tilespmem:$0xC800] =	vst v63  }
0x46: {  	s26 =	sadd.s32 $0x10, s25;
	s25 =	sadd.s32 $0x20, s25  }
0x47: {  	[hbm4b:s26+s16] =	stream.strided.scatter [tilespmem:s15], [sflag:$0x4], $0x3200, s17, s16, $0x38;
	[tilespmem:$0xC800] =	vst v63  }
0x48: {  	_ =	swait.ge [sflag:s14], $0x3200  }
0x49: {  	[sflag:s14] =	ssyncset.done $0x0  }
0x4a: {  	[sflag:s14] =	ssyncadd.s32 $0xFFFFCE00  }
0x4b: {  	_ =	swait.ge [sflag:s21], $0x3200  }
0x4c: {  	[sflag:s21] =	ssyncset.done $0x0  }
0x4d: {  	[sflag:s21] =	ssyncadd.s32 $0xFFFFCE00  }
0x4e: {  	[tilespmem:s15], [sflag:$0x2] =	stream.indirect.gather [hbm4b:s3+s12], $0x40, s22, s12, $0xb8;
	[tilespmem:$0xC800] =	vst v63  }
0x4f: {  	_ = 	snop  }
0x50: {  	[hbm4b:s8+s16] =	stream.strided.scatter [tilespmem:s13], [sflag:$0x3], $0x3200, s17, s16, $0x38;
	[tilespmem:$0xC800] =	vst v63  }
0x51: {  	_ =	swait.ge [sflag:s18], $0x3200  }
0x52: {  	[sflag:s18] =	ssyncset.done $0x0  }
0x53: {  	[sflag:s18] =	ssyncadd.s32 $0xFFFFCE00  }
0x54: {  	s23 =	sadd.s32 $0x1, s23;
	_ =	swait.ge [sflag:s19], $0x3200  }
0x55: {  	p0 =	sne.s32 s23, s5;
	[sflag:s19] =	ssyncset.done $0x0  }
.Ltmp1:
0x56: {  	[sflag:s19] =	ssyncadd.s32 $0xFFFFCE00;
	(pc) =	sbr.rel @p0 .LBB2_1-.Ltmp1, $4  }
0x57: {  	[hbm4b:s9+s16] =	stream.strided.scatter [tilespmem:s15], [sflag:$0x4], $0x3200, s17, s16, $0x38;
	[tilespmem:$0xC800] =	vst v63  }
0x58: {  	_ =	swait.ge [sflag:s21], $0x3200  }
0x59: {  	[sflag:s21] =	ssyncset.done $0x0  }
0x5a: {  	[sflag:s21] =	ssyncadd.s32 $0xFFFFCE00  }
0x5b: {  	_ =	sfence.sel $0x180000  }
0x5c: {  	[bflag:$0x0] =	sbarrier.arrive $0xFFFF  }
0x5d: {  	p0 =	sne.s32 s0, $0x0;
	_ =	strace $0x90000047  }
0x5e: {  	s0 =	sadd.s32 @!p0 $0x100000, s1;
	[bflag:$0x2] =	sbarrier.arrive $0xFFFF  }
0x5f: {  	[sflag:s0] =	ssyncadd.tile.s32 @!p0 $0x1;
	_ =	shalt  }
.Lfunc_end2:
_tile_overlayer_lowered:
.L_overlay_start_2:
0x60: {  	(tag) =	ssettag $0x2  }
0x61: {  	s0 =	rddreg [dreg:$0x0];
	s2 =	stileid.u32  }
0x62: {  	s1 =	rddreg [dreg:$0x1];
	p0 =	sne.s32 s2, $0x0  }
0x63: {  	s3 =	rddreg [dreg:$0x2];
	[bflag:$0x3] =	sbarrier.arrive $0xFFFF;
	s2 =	simm.s32 @!p0 $0x1C05  }
0x64: {  	[timem:s3], [sflag:s2] =	dma.local @!p0 [hbm:s0], s1  }
0x65: {  	s0 =	simm.s32 @!p0 $0x5  }
0x66: {  	_ =	swait.ge @!p0 [sflag:s0], s1  }
0x67: {  	s1 =	ssub.s32 @!p0 $0x0, s1;
	[sflag:s0] =	ssyncset.done @!p0 $0x0  }
0x68: {  	[sflag:s0] =	ssyncadd.s32 @!p0 s1  }
0x69: {  	[bflag:$0x3] =	sbarrier.arrive $0xFFFF  }
0x6a: {  	_ =	shalt  }

</sc_bundles>
